<compile_context>
chip_gen: v7x
topology: tpu7x:2x2x1
jax: 0.10.2.dev20260603
libtpu: 0.0.44.dev20260713+nightly
codegen_flags: <defaults>
</compile_context>

<pallas_src>
import functools

import jax
import jax.numpy as jnp
from jax import lax
from jax.experimental import pallas as pl
from jax.experimental.pallas import tpu as pltpu
from jax.experimental.pallas import tpu_sc as plsc

_R = 64
_D = 128

_NC = 2
_NS = 16
_NW = _NC * _NS

_CH = 128
_NBUF = 4
_LOOK = 3


def _matmul_body(ut_ref, b_ref, w_ref):
    w_ref[...] = jax.lax.dot_general(
        ut_ref[...], b_ref[...],
        dimension_numbers=(((0,), (0,)), ((), ())),
        preferred_element_type=jnp.float32,
    )


def _compute_w(U, B):
    m = U.shape[0]
    blk = 8192
    grid = (m + blk - 1) // blk
    return pl.pallas_call(
        _matmul_body,
        grid=(grid,),
        in_specs=[
            pl.BlockSpec((_R, blk), lambda i: (0, i)),
            pl.BlockSpec((_R, _D), lambda i: (0, 0)),
        ],
        out_specs=pl.BlockSpec((blk, _D), lambda i: (i, 0)),
        out_shape=jax.ShapeDtypeStruct((m, _D), jnp.float32),
    )(U.T, B)


def _make_gather(ntot, nch):
    mesh = plsc.VectorSubcoreMesh(core_axis_name="c", subcore_axis_name="s")
    per_w = nch * _CH

    @functools.partial(
        pl.kernel,
        out_type=jax.ShapeDtypeStruct((ntot, _D), jnp.float32),
        mesh=mesh,
        scratch_types=[
            pltpu.VMEM((per_w,), jnp.int32),
            [pltpu.VMEM((_CH, _D), jnp.float32)] * _NBUF,
            [pltpu.SemaphoreType.DMA] * _NBUF,
            [pltpu.SemaphoreType.DMA] * _NBUF,
        ],
    )
    def gather(table_hbm, idx_hbm, out_hbm, idx_v, rows, gsems, osems):
        wid = lax.axis_index("s") * _NC + lax.axis_index("c")
        base = wid * per_w
        pltpu.sync_copy(idx_hbm.at[pl.ds(base, per_w)], idx_v)

        def gather_chunk(c, buf):
            pltpu.make_async_copy(
                table_hbm.at[idx_v.at[pl.ds(c * _CH, _CH)]],
                rows[buf],
                gsems[buf],
            ).start()

        def out_copy(c, buf):
            return pltpu.make_async_copy(
                rows[buf],
                out_hbm.at[pl.ds(base + c * _CH, _CH)],
                osems[buf],
            )

        for c in range(_LOOK):
            gather_chunk(c, c % _NBUF)

        def body(g, _):
            for b in range(_NBUF):
                c = 4 * g + b
                nxt = c + _LOOK
                nbuf = (b + _LOOK) % _NBUF

                @pl.when(nxt < nch)
                def _():
                    @pl.when(c >= 1)
                    def _():
                        out_copy(c - 1, nbuf).wait()

                    gather_chunk(nxt, nbuf)

                pltpu.make_async_copy(
                    table_hbm.at[idx_v.at[pl.ds(c * _CH, _CH)]],
                    rows[b],
                    gsems[b],
                ).wait()
                out_copy(c, b).start()
            return 0

        lax.fori_loop(0, nch // _NBUF, body, 0, unroll=False)
        for k in range(nch - _NBUF, nch):
            out_copy(k, k % _NBUF).wait()

    return gather


def kernel(local_ids, U, B):
    bsz, seq = local_ids.shape
    ntot = bsz * seq
    nch = ntot // (_NW * _CH)

    W = _compute_w(U, B)
    ids = local_ids.astype(jnp.int32).reshape(ntot)
    out = _make_gather(ntot, nch)(W, ids)
    return out.reshape(bsz, seq, _D)

# --- scband reference (transcript-rebuilt; emitter-appended) ---
"""Pipeline reference for scband-hot-low-rank-21328807592425 (READ-ONLY COPY).

The authoritative reference and input builder live on the scoring server;
editing this copy changes nothing except your own understanding.
"""

import jax, jax.numpy as jnp
import numpy as np
import math

K = 100000
D = 128
R = 64

def setup_inputs(seed: int = 0) -> dict:
    key = jax.random.key(seed)
    k1, k2, k3 = jax.random.split(key, 3)
    local_ids = jax.random.randint(k1, (4096, 200), 0, K, dtype=jnp.int64 if jax.config.jax_enable_x64 else jnp.int32)
    U = jax.random.normal(k2, (K, R), dtype=jnp.float32) / math.sqrt(R)
    B = jax.random.normal(k3, (R, D), dtype=jnp.float32) / math.sqrt(R)
    return {"local_ids": local_ids, "U": U, "B": B}

def reference(local_ids, U, B):
    # HotLowRank.row: gather low-rank rows for hot-token ids, then project to d.
    # U[local_ids] -> [B, L, r]; @ B -> [B, L, d]
    u_rows = jnp.take(U, local_ids, axis=0)
    return u_rows @ B

if __name__ == "__main__":
    import jax
    _d = setup_inputs()
    print(jax.jit(kernel)(*tuple(_d.values())))

</pallas_src>

<mosaic_0001>
#map = affine_map<(d0, d1) -> (0, 0)>
#map1 = affine_map<(d0, d1) -> (0)>
module attributes {stable_mosaic.version = 14 : i64} {
  func.func @gather(%arg0: i32, %arg1: i32, %arg2: memref<100000x128xf32, #tpu.memory_space<hbm>>, %arg3: memref<819200xi32, #tpu.memory_space<hbm>>, %arg4: memref<819200x128xf32, #tpu.memory_space<hbm>>, %arg5: memref<25600xi32, #tpu.memory_space<vmem>>, %arg6: memref<128x128xf32, #tpu.memory_space<vmem>>, %arg7: memref<128x128xf32, #tpu.memory_space<vmem>>, %arg8: memref<128x128xf32, #tpu.memory_space<vmem>>, %arg9: memref<128x128xf32, #tpu.memory_space<vmem>>, %arg10: memref<!tpu.dma_semaphore, #tpu.memory_space<semaphore_mem>>, %arg11: memref<!tpu.dma_semaphore, #tpu.memory_space<semaphore_mem>>, %arg12: memref<!tpu.dma_semaphore, #tpu.memory_space<semaphore_mem>>, %arg13: memref<!tpu.dma_semaphore, #tpu.memory_space<semaphore_mem>>, %arg14: memref<!tpu.dma_semaphore, #tpu.memory_space<semaphore_mem>>, %arg15: memref<!tpu.dma_semaphore, #tpu.memory_space<semaphore_mem>>, %arg16: memref<!tpu.dma_semaphore, #tpu.memory_space<semaphore_mem>>, %arg17: memref<!tpu.dma_semaphore, #tpu.memory_space<semaphore_mem>>) attributes {dimension_semantics = [#tpu.dimension_semantics<core_parallel>, #tpu.dimension_semantics<subcore_parallel>], iteration_bounds = array<i64: 2, 16>, scalar_prefetch = 0 : i64, scratch_operands = 13 : i64, tpu.core_type = #tpu.core_type<sc_vector_subcore>, window_params = [{transform_indices = #map}, {transform_indices = #map1}, {transform_indices = #map}]} {
    %mul3A = arith.constant 2 : i32
    %mul3A_0 = arith.muli %arg1, %mul3A : i32
    %add3A = arith.addi %mul3A_0, %arg0 : i32
    %mul3A_1 = arith.constant 25600 : i32
    %mul3A_2 = arith.muli %add3A, %mul3A_1 : i32
    "tpu.region"() ({
      %run_scoped3A = tpu.sem_alloc : memref<!tpu.dma_semaphore, #tpu.memory_space<semaphore_mem>>
      %dma_start3A_46 = tpu.memref_slice %arg3[%mul3A_2] : memref<819200xi32, #tpu.memory_space<hbm>> -> memref<25600xi32, #tpu.memory_space<hbm>>
      %dma_start3A_47 = tpu.memref_slice %arg3[%mul3A_2] : memref<819200xi32, #tpu.memory_space<hbm>> -> memref<25600xi32, #tpu.memory_space<hbm>>
      tpu.enqueue_dma source(%dma_start3A_47 : memref<25600xi32, #tpu.memory_space<hbm>>) target(%arg5 : memref<25600xi32, #tpu.memory_space<vmem>>) target_semaphore(%run_scoped3A : memref<!tpu.dma_semaphore, #tpu.memory_space<semaphore_mem>>)
      %dma_wait3A_48 = tpu.memref_slice %arg3[%mul3A_2] : memref<819200xi32, #tpu.memory_space<hbm>> -> memref<25600xi32, #tpu.memory_space<hbm>>
      %dma_wait3A_49 = tpu.memref_slice %arg3[%mul3A_2] : memref<819200xi32, #tpu.memory_space<hbm>> -> memref<25600xi32, #tpu.memory_space<hbm>>
      tpu.wait_dma2 semaphore(%run_scoped3A : memref<!tpu.dma_semaphore, #tpu.memory_space<semaphore_mem>>) src(%dma_wait3A_49 : memref<25600xi32, #tpu.memory_space<hbm>>) dst(%arg5 : memref<25600xi32, #tpu.memory_space<vmem>>)
      tpu.yield
    }) : () -> ()
    %dma_start3A = arith.constant 0 : i32
    %dma_start3A_3 = tpu.memref_slice %arg5[%dma_start3A] : memref<25600xi32, #tpu.memory_space<vmem>> -> memref<128xi32, #tpu.memory_space<vmem>>
    %dma_start3A_4 = arith.constant 0 : i32
    %dma_start3A_5 = arith.constant 0 : i32
    %dma_start3A_6 = tpu.memref_slice %arg2[%dma_start3A_4, %dma_start3A_5] : memref<100000x128xf32, #tpu.memory_space<hbm>> -> memref<100000x128xf32, #tpu.memory_space<hbm>>
    tpu.enqueue_indirect_dma source(%dma_start3A_6 : memref<100000x128xf32, #tpu.memory_space<hbm>>) target(%arg6 : memref<128x128xf32, #tpu.memory_space<vmem>>) offsets(%dma_start3A_3 : memref<128xi32, #tpu.memory_space<vmem>>) semaphore(%arg10 : memref<!tpu.dma_semaphore, #tpu.memory_space<semaphore_mem>>)
    %dma_start3A_7 = arith.constant 128 : i32
    %dma_start3A_8 = tpu.memref_slice %arg5[%dma_start3A_7] : memref<25600xi32, #tpu.memory_space<vmem>> -> memref<128xi32, #tpu.memory_space<vmem>>
    %dma_start3A_9 = arith.constant 0 : i32
    %dma_start3A_10 = arith.constant 0 : i32
    %dma_start3A_11 = tpu.memref_slice %arg2[%dma_start3A_9, %dma_start3A_10] : memref<100000x128xf32, #tpu.memory_space<hbm>> -> memref<100000x128xf32, #tpu.memory_space<hbm>>
    tpu.enqueue_indirect_dma source(%dma_start3A_11 : memref<100000x128xf32, #tpu.memory_space<hbm>>) target(%arg7 : memref<128x128xf32, #tpu.memory_space<vmem>>) offsets(%dma_start3A_8 : memref<128xi32, #tpu.memory_space<vmem>>) semaphore(%arg11 : memref<!tpu.dma_semaphore, #tpu.memory_space<semaphore_mem>>)
    %dma_start3A_12 = arith.constant 256 : i32
    %dma_start3A_13 = tpu.memref_slice %arg5[%dma_start3A_12] : memref<25600xi32, #tpu.memory_space<vmem>> -> memref<128xi32, #tpu.memory_space<vmem>>
    %dma_start3A_14 = arith.constant 0 : i32
    %dma_start3A_15 = arith.constant 0 : i32
    %dma_start3A_16 = tpu.memref_slice %arg2[%dma_start3A_14, %dma_start3A_15] : memref<100000x128xf32, #tpu.memory_space<hbm>> -> memref<100000x128xf32, #tpu.memory_space<hbm>>
    tpu.enqueue_indirect_dma source(%dma_start3A_16 : memref<100000x128xf32, #tpu.memory_space<hbm>>) target(%arg8 : memref<128x128xf32, #tpu.memory_space<vmem>>) offsets(%dma_start3A_13 : memref<128xi32, #tpu.memory_space<vmem>>) semaphore(%arg12 : memref<!tpu.dma_semaphore, #tpu.memory_space<semaphore_mem>>)
    %scan3A = arith.constant 0 : i32
    %scan3A_17 = arith.constant 0 : i32
    %scan3A_18 = arith.constant 50 : i32
    %scan3A_19 = arith.addi %scan3A_17, %scan3A_18 : i32
    %scan3A_20 = arith.constant 1 : i32
    %scan3A_21 = scf.for %scan3A_46 = %scan3A_17 to %scan3A_19 step %scan3A_20 iter_args(%scan3A_47 = %scan3A) -> (i32)  : i32 {
      %mul3A_48 = arith.constant 4 : i32
      %mul3A_49 = arith.muli %mul3A_48, %scan3A_46 : i32
      %add3A_50 = arith.constant 0 : i32
      %add3A_51 = arith.addi %mul3A_49, %add3A_50 : i32
      %add3A_52 = arith.constant 3 : i32
      %add3A_53 = arith.addi %add3A_51, %add3A_52 : i32
      %lt3A = arith.constant 200 : i32
      %lt3A_54 = arith.cmpi slt, %add3A_53, %lt3A : i32
      %convert_element_type3A = arith.extui %lt3A_54 : i1 to i32
      %cond3A = arith.constant 0 : i32
      %cond3A_55 = arith.cmpi ne, %convert_element_type3A, %cond3A : i32
      scf.if %cond3A_55 {
        %ge3A = arith.constant 1 : i32
        %ge3A_142 = arith.cmpi sge, %add3A_51, %ge3A : i32
        %convert_element_type3A_143 = arith.extui %ge3A_142 : i1 to i32
        %cond3A_144 = arith.constant 0 : i32
        %cond3A_145 = arith.cmpi ne, %convert_element_type3A_143, %cond3A_144 : i32
        scf.if %cond3A_145 {
          %sub3A = arith.constant 1 : i32
          %sub3A_152 = arith.subi %add3A_51, %sub3A : i32
          %mul3A_153 = arith.constant 128 : i32
          %mul3A_154 = arith.muli %sub3A_152, %mul3A_153 : i32
          %add3A_155 = arith.addi %mul3A_2, %mul3A_154 : i32
          %dma_wait3A_156 = arith.constant 0 : i32
          %dma_wait3A_157 = tpu.memref_slice %arg4[%add3A_155, %dma_wait3A_156] : memref<819200x128xf32, #tpu.memory_space<hbm>> -> memref<128x128xf32, #tpu.memory_space<hbm>>
          %dma_wait3A_158 = arith.constant 0 : i32
          %dma_wait3A_159 = tpu.memref_slice %arg4[%add3A_155, %dma_wait3A_158] : memref<819200x128xf32, #tpu.memory_space<hbm>> -> memref<128x128xf32, #tpu.memory_space<hbm>>
          tpu.wait_dma2 semaphore(%arg17 : memref<!tpu.dma_semaphore, #tpu.memory_space<semaphore_mem>>) src(%arg9 : memref<128x128xf32, #tpu.memory_space<vmem>>) dst(%dma_wait3A_159 : memref<128x128xf32, #tpu.memory_space<hbm>>)
        } else {
        }
        %mul3A_146 = arith.constant 128 : i32
        %mul3A_147 = arith.muli %add3A_53, %mul3A_146 : i32
        %dma_start3A_148 = tpu.memref_slice %arg5[%mul3A_147] : memref<25600xi32, #tpu.memory_space<vmem>> -> memref<128xi32, #tpu.memory_space<vmem>>
        %dma_start3A_149 = arith.constant 0 : i32
        %dma_start3A_150 = arith.constant 0 : i32
        %dma_start3A_151 = tpu.memref_slice %arg2[%dma_start3A_149, %dma_start3A_150] : memref<100000x128xf32, #tpu.memory_space<hbm>> -> memref<100000x128xf32, #tpu.memory_space<hbm>>
        tpu.enqueue_indirect_dma source(%dma_start3A_151 : memref<100000x128xf32, #tpu.memory_space<hbm>>) target(%arg9 : memref<128x128xf32, #tpu.memory_space<vmem>>) offsets(%dma_start3A_148 : memref<128xi32, #tpu.memory_space<vmem>>) semaphore(%arg13 : memref<!tpu.dma_semaphore, #tpu.memory_space<semaphore_mem>>)
      } else {
      }
      %mul3A_56 = arith.constant 128 : i32
      %mul3A_57 = arith.muli %add3A_51, %mul3A_56 : i32
      %dma_wait3A_58 = tpu.memref_slice %arg5[%mul3A_57] : memref<25600xi32, #tpu.memory_space<vmem>> -> memref<128xi32, #tpu.memory_space<vmem>>
      %dma_wait3A_59 = arith.constant 0 : i32
      %dma_wait3A_60 = arith.constant 0 : i32
      %dma_wait3A_61 = tpu.memref_slice %arg2[%dma_wait3A_59, %dma_wait3A_60] : memref<100000x128xf32, #tpu.memory_space<hbm>> -> memref<100000x128xf32, #tpu.memory_space<hbm>>
      tpu.wait_indirect_dma semaphore(%arg10 : memref<!tpu.dma_semaphore, #tpu.memory_space<semaphore_mem>>) src(%dma_wait3A_61 : memref<100000x128xf32, #tpu.memory_space<hbm>>) dst(%arg6 : memref<128x128xf32, #tpu.memory_space<vmem>>)
      %mul3A_62 = arith.constant 128 : i32
      %mul3A_63 = arith.muli %add3A_51, %mul3A_62 : i32
      %add3A_64 = arith.addi %mul3A_2, %mul3A_63 : i32
      %dma_start3A_65 = arith.constant 0 : i32
      %dma_start3A_66 = tpu.memref_slice %arg4[%add3A_64, %dma_start3A_65] : memref<819200x128xf32, #tpu.memory_space<hbm>> -> memref<128x128xf32, #tpu.memory_space<hbm>>
      %dma_start3A_67 = arith.constant 0 : i32
      %dma_start3A_68 = tpu.memref_slice %arg4[%add3A_64, %dma_start3A_67] : memref<819200x128xf32, #tpu.memory_space<hbm>> -> memref<128x128xf32, #tpu.memory_space<hbm>>
      tpu.enqueue_dma source(%arg6 : memref<128x128xf32, #tpu.memory_space<vmem>>) target(%dma_start3A_68 : memref<128x128xf32, #tpu.memory_space<hbm>>) target_semaphore(%arg14 : memref<!tpu.dma_semaphore, #tpu.memory_space<semaphore_mem>>)
      %mul3A_69 = arith.constant 4 : i32
      %mul3A_70 = arith.muli %mul3A_69, %scan3A_46 : i32
      %add3A_71 = arith.constant 1 : i32
      %add3A_72 = arith.addi %mul3A_70, %add3A_71 : i32
      %add3A_73 = arith.constant 3 : i32
      %add3A_74 = arith.addi %add3A_72, %add3A_73 : i32
      %lt3A_75 = arith.constant 200 : i32
      %lt3A_76 = arith.cmpi slt, %add3A_74, %lt3A_75 : i32
      %convert_element_type3A_77 = arith.extui %lt3A_76 : i1 to i32
      %cond3A_78 = arith.constant 0 : i32
      %cond3A_79 = arith.cmpi ne, %convert_element_type3A_77, %cond3A_78 : i32
      scf.if %cond3A_79 {
        %ge3A = arith.constant 1 : i32
        %ge3A_142 = arith.cmpi sge, %add3A_72, %ge3A : i32
        %convert_element_type3A_143 = arith.extui %ge3A_142 : i1 to i32
        %cond3A_144 = arith.constant 0 : i32
        %cond3A_145 = arith.cmpi ne, %convert_element_type3A_143, %cond3A_144 : i32
        scf.if %cond3A_145 {
          %sub3A = arith.constant 1 : i32
          %sub3A_152 = arith.subi %add3A_72, %sub3A : i32
          %mul3A_153 = arith.constant 128 : i32
          %mul3A_154 = arith.muli %sub3A_152, %mul3A_153 : i32
          %add3A_155 = arith.addi %mul3A_2, %mul3A_154 : i32
          %dma_wait3A_156 = arith.constant 0 : i32
          %dma_wait3A_157 = tpu.memref_slice %arg4[%add3A_155, %dma_wait3A_156] : memref<819200x128xf32, #tpu.memory_space<hbm>> -> memref<128x128xf32, #tpu.memory_space<hbm>>
          %dma_wait3A_158 = arith.constant 0 : i32
          %dma_wait3A_159 = tpu.memref_slice %arg4[%add3A_155, %dma_wait3A_158] : memref<819200x128xf32, #tpu.memory_space<hbm>> -> memref<128x128xf32, #tpu.memory_space<hbm>>
          tpu.wait_dma2 semaphore(%arg14 : memref<!tpu.dma_semaphore, #tpu.memory_space<semaphore_mem>>) src(%arg6 : memref<128x128xf32, #tpu.memory_space<vmem>>) dst(%dma_wait3A_159 : memref<128x128xf32, #tpu.memory_space<hbm>>)
        } else {
        }
        %mul3A_146 = arith.constant 128 : i32
        %mul3A_147 = arith.muli %add3A_74, %mul3A_146 : i32
        %dma_start3A_148 = tpu.memref_slice %arg5[%mul3A_147] : memref<25600xi32, #tpu.memory_space<vmem>> -> memref<128xi32, #tpu.memory_space<vmem>>
        %dma_start3A_149 = arith.constant 0 : i32
        %dma_start3A_150 = arith.constant 0 : i32
        %dma_start3A_151 = tpu.memref_slice %arg2[%dma_start3A_149, %dma_start3A_150] : memref<100000x128xf32, #tpu.memory_space<hbm>> -> memref<100000x128xf32, #tpu.memory_space<hbm>>
        tpu.enqueue_indirect_dma source(%dma_start3A_151 : memref<100000x128xf32, #tpu.memory_space<hbm>>) target(%arg6 : memref<128x128xf32, #tpu.memory_space<vmem>>) offsets(%dma_start3A_148 : memref<128xi32, #tpu.memory_space<vmem>>) semaphore(%arg10 : memref<!tpu.dma_semaphore, #tpu.memory_space<semaphore_mem>>)
      } else {
      }
      %mul3A_80 = arith.constant 128 : i32
      %mul3A_81 = arith.muli %add3A_72, %mul3A_80 : i32
      %dma_wait3A_82 = tpu.memref_slice %arg5[%mul3A_81] : memref<25600xi32, #tpu.memory_space<vmem>> -> memref<128xi32, #tpu.memory_space<vmem>>
      %dma_wait3A_83 = arith.constant 0 : i32
      %dma_wait3A_84 = arith.constant 0 : i32
      %dma_wait3A_85 = tpu.memref_slice %arg2[%dma_wait3A_83, %dma_wait3A_84] : memref<100000x128xf32, #tpu.memory_space<hbm>> -> memref<100000x128xf32, #tpu.memory_space<hbm>>
      tpu.wait_indirect_dma semaphore(%arg11 : memref<!tpu.dma_semaphore, #tpu.memory_space<semaphore_mem>>) src(%dma_wait3A_85 : memref<100000x128xf32, #tpu.memory_space<hbm>>) dst(%arg7 : memref<128x128xf32, #tpu.memory_space<vmem>>)
      %mul3A_86 = arith.constant 128 : i32
      %mul3A_87 = arith.muli %add3A_72, %mul3A_86 : i32
      %add3A_88 = arith.addi %mul3A_2, %mul3A_87 : i32
      %dma_start3A_89 = arith.constant 0 : i32
      %dma_start3A_90 = tpu.memref_slice %arg4[%add3A_88, %dma_start3A_89] : memref<819200x128xf32, #tpu.memory_space<hbm>> -> memref<128x128xf32, #tpu.memory_space<hbm>>
      %dma_start3A_91 = arith.constant 0 : i32
      %dma_start3A_92 = tpu.memref_slice %arg4[%add3A_88, %dma_start3A_91] : memref<819200x128xf32, #tpu.memory_space<hbm>> -> memref<128x128xf32, #tpu.memory_space<hbm>>
      tpu.enqueue_dma source(%arg7 : memref<128x128xf32, #tpu.memory_space<vmem>>) target(%dma_start3A_92 : memref<128x128xf32, #tpu.memory_space<hbm>>) target_semaphore(%arg15 : memref<!tpu.dma_semaphore, #tpu.memory_space<semaphore_mem>>)
      %mul3A_93 = arith.constant 4 : i32
      %mul3A_94 = arith.muli %mul3A_93, %scan3A_46 : i32
      %add3A_95 = arith.constant 2 : i32
      %add3A_96 = arith.addi %mul3A_94, %add3A_95 : i32
      %add3A_97 = arith.constant 3 : i32
      %add3A_98 = arith.addi %add3A_96, %add3A_97 : i32
      %lt3A_99 = arith.constant 200 : i32
      %lt3A_100 = arith.cmpi slt, %add3A_98, %lt3A_99 : i32
      %convert_element_type3A_101 = arith.extui %lt3A_100 : i1 to i32
      %cond3A_102 = arith.constant 0 : i32
      %cond3A_103 = arith.cmpi ne, %convert_element_type3A_101, %cond3A_102 : i32
      scf.if %cond3A_103 {
        %ge3A = arith.constant 1 : i32
        %ge3A_142 = arith.cmpi sge, %add3A_96, %ge3A : i32
        %convert_element_type3A_143 = arith.extui %ge3A_142 : i1 to i32
        %cond3A_144 = arith.constant 0 : i32
        %cond3A_145 = arith.cmpi ne, %convert_element_type3A_143, %cond3A_144 : i32
        scf.if %cond3A_145 {
          %sub3A = arith.constant 1 : i32
          %sub3A_152 = arith.subi %add3A_96, %sub3A : i32
          %mul3A_153 = arith.constant 128 : i32
          %mul3A_154 = arith.muli %sub3A_152, %mul3A_153 : i32
          %add3A_155 = arith.addi %mul3A_2, %mul3A_154 : i32
          %dma_wait3A_156 = arith.constant 0 : i32
          %dma_wait3A_157 = tpu.memref_slice %arg4[%add3A_155, %dma_wait3A_156] : memref<819200x128xf32, #tpu.memory_space<hbm>> -> memref<128x128xf32, #tpu.memory_space<hbm>>
          %dma_wait3A_158 = arith.constant 0 : i32
          %dma_wait3A_159 = tpu.memref_slice %arg4[%add3A_155, %dma_wait3A_158] : memref<819200x128xf32, #tpu.memory_space<hbm>> -> memref<128x128xf32, #tpu.memory_space<hbm>>
          tpu.wait_dma2 semaphore(%arg15 : memref<!tpu.dma_semaphore, #tpu.memory_space<semaphore_mem>>) src(%arg7 : memref<128x128xf32, #tpu.memory_space<vmem>>) dst(%dma_wait3A_159 : memref<128x128xf32, #tpu.memory_space<hbm>>)
        } else {
        }
        %mul3A_146 = arith.constant 128 : i32
        %mul3A_147 = arith.muli %add3A_98, %mul3A_146 : i32
        %dma_start3A_148 = tpu.memref_slice %arg5[%mul3A_147] : memref<25600xi32, #tpu.memory_space<vmem>> -> memref<128xi32, #tpu.memory_space<vmem>>
        %dma_start3A_149 = arith.constant 0 : i32
        %dma_start3A_150 = arith.constant 0 : i32
        %dma_start3A_151 = tpu.memref_slice %arg2[%dma_start3A_149, %dma_start3A_150] : memref<100000x128xf32, #tpu.memory_space<hbm>> -> memref<100000x128xf32, #tpu.memory_space<hbm>>
        tpu.enqueue_indirect_dma source(%dma_start3A_151 : memref<100000x128xf32, #tpu.memory_space<hbm>>) target(%arg7 : memref<128x128xf32, #tpu.memory_space<vmem>>) offsets(%dma_start3A_148 : memref<128xi32, #tpu.memory_space<vmem>>) semaphore(%arg11 : memref<!tpu.dma_semaphore, #tpu.memory_space<semaphore_mem>>)
      } else {
      }
      %mul3A_104 = arith.constant 128 : i32
      %mul3A_105 = arith.muli %add3A_96, %mul3A_104 : i32
      %dma_wait3A_106 = tpu.memref_slice %arg5[%mul3A_105] : memref<25600xi32, #tpu.memory_space<vmem>> -> memref<128xi32, #tpu.memory_space<vmem>>
      %dma_wait3A_107 = arith.constant 0 : i32
      %dma_wait3A_108 = arith.constant 0 : i32
      %dma_wait3A_109 = tpu.memref_slice %arg2[%dma_wait3A_107, %dma_wait3A_108] : memref<100000x128xf32, #tpu.memory_space<hbm>> -> memref<100000x128xf32, #tpu.memory_space<hbm>>
      tpu.wait_indirect_dma semaphore(%arg12 : memref<!tpu.dma_semaphore, #tpu.memory_space<semaphore_mem>>) src(%dma_wait3A_109 : memref<100000x128xf32, #tpu.memory_space<hbm>>) dst(%arg8 : memref<128x128xf32, #tpu.memory_space<vmem>>)
      %mul3A_110 = arith.constant 128 : i32
      %mul3A_111 = arith.muli %add3A_96, %mul3A_110 : i32
      %add3A_112 = arith.addi %mul3A_2, %mul3A_111 : i32
      %dma_start3A_113 = arith.constant 0 : i32
      %dma_start3A_114 = tpu.memref_slice %arg4[%add3A_112, %dma_start3A_113] : memref<819200x128xf32, #tpu.memory_space<hbm>> -> memref<128x128xf32, #tpu.memory_space<hbm>>
      %dma_start3A_115 = arith.constant 0 : i32
      %dma_start3A_116 = tpu.memref_slice %arg4[%add3A_112, %dma_start3A_115] : memref<819200x128xf32, #tpu.memory_space<hbm>> -> memref<128x128xf32, #tpu.memory_space<hbm>>
      tpu.enqueue_dma source(%arg8 : memref<128x128xf32, #tpu.memory_space<vmem>>) target(%dma_start3A_116 : memref<128x128xf32, #tpu.memory_space<hbm>>) target_semaphore(%arg16 : memref<!tpu.dma_semaphore, #tpu.memory_space<semaphore_mem>>)
      %mul3A_117 = arith.constant 4 : i32
      %mul3A_118 = arith.muli %mul3A_117, %scan3A_46 : i32
      %add3A_119 = arith.constant 3 : i32
      %add3A_120 = arith.addi %mul3A_118, %add3A_119 : i32
      %add3A_121 = arith.constant 3 : i32
      %add3A_122 = arith.addi %add3A_120, %add3A_121 : i32
      %lt3A_123 = arith.constant 200 : i32
      %lt3A_124 = arith.cmpi slt, %add3A_122, %lt3A_123 : i32
      %convert_element_type3A_125 = arith.extui %lt3A_124 : i1 to i32
      %cond3A_126 = arith.constant 0 : i32
      %cond3A_127 = arith.cmpi ne, %convert_element_type3A_125, %cond3A_126 : i32
      scf.if %cond3A_127 {
        %ge3A = arith.constant 1 : i32
        %ge3A_142 = arith.cmpi sge, %add3A_120, %ge3A : i32
        %convert_element_type3A_143 = arith.extui %ge3A_142 : i1 to i32
        %cond3A_144 = arith.constant 0 : i32
        %cond3A_145 = arith.cmpi ne, %convert_element_type3A_143, %cond3A_144 : i32
        scf.if %cond3A_145 {
          %sub3A = arith.constant 1 : i32
          %sub3A_152 = arith.subi %add3A_120, %sub3A : i32
          %mul3A_153 = arith.constant 128 : i32
          %mul3A_154 = arith.muli %sub3A_152, %mul3A_153 : i32
          %add3A_155 = arith.addi %mul3A_2, %mul3A_154 : i32
          %dma_wait3A_156 = arith.constant 0 : i32
          %dma_wait3A_157 = tpu.memref_slice %arg4[%add3A_155, %dma_wait3A_156] : memref<819200x128xf32, #tpu.memory_space<hbm>> -> memref<128x128xf32, #tpu.memory_space<hbm>>
          %dma_wait3A_158 = arith.constant 0 : i32
          %dma_wait3A_159 = tpu.memref_slice %arg4[%add3A_155, %dma_wait3A_158] : memref<819200x128xf32, #tpu.memory_space<hbm>> -> memref<128x128xf32, #tpu.memory_space<hbm>>
          tpu.wait_dma2 semaphore(%arg16 : memref<!tpu.dma_semaphore, #tpu.memory_space<semaphore_mem>>) src(%arg8 : memref<128x128xf32, #tpu.memory_space<vmem>>) dst(%dma_wait3A_159 : memref<128x128xf32, #tpu.memory_space<hbm>>)
        } else {
        }
        %mul3A_146 = arith.constant 128 : i32
        %mul3A_147 = arith.muli %add3A_122, %mul3A_146 : i32
        %dma_start3A_148 = tpu.memref_slice %arg5[%mul3A_147] : memref<25600xi32, #tpu.memory_space<vmem>> -> memref<128xi32, #tpu.memory_space<vmem>>
        %dma_start3A_149 = arith.constant 0 : i32
        %dma_start3A_150 = arith.constant 0 : i32
        %dma_start3A_151 = tpu.memref_slice %arg2[%dma_start3A_149, %dma_start3A_150] : memref<100000x128xf32, #tpu.memory_space<hbm>> -> memref<100000x128xf32, #tpu.memory_space<hbm>>
        tpu.enqueue_indirect_dma source(%dma_start3A_151 : memref<100000x128xf32, #tpu.memory_space<hbm>>) target(%arg8 : memref<128x128xf32, #tpu.memory_space<vmem>>) offsets(%dma_start3A_148 : memref<128xi32, #tpu.memory_space<vmem>>) semaphore(%arg12 : memref<!tpu.dma_semaphore, #tpu.memory_space<semaphore_mem>>)
      } else {
      }
      %mul3A_128 = arith.constant 128 : i32
      %mul3A_129 = arith.muli %add3A_120, %mul3A_128 : i32
      %dma_wait3A_130 = tpu.memref_slice %arg5[%mul3A_129] : memref<25600xi32, #tpu.memory_space<vmem>> -> memref<128xi32, #tpu.memory_space<vmem>>
      %dma_wait3A_131 = arith.constant 0 : i32
      %dma_wait3A_132 = arith.constant 0 : i32
      %dma_wait3A_133 = tpu.memref_slice %arg2[%dma_wait3A_131, %dma_wait3A_132] : memref<100000x128xf32, #tpu.memory_space<hbm>> -> memref<100000x128xf32, #tpu.memory_space<hbm>>
      tpu.wait_indirect_dma semaphore(%arg13 : memref<!tpu.dma_semaphore, #tpu.memory_space<semaphore_mem>>) src(%dma_wait3A_133 : memref<100000x128xf32, #tpu.memory_space<hbm>>) dst(%arg9 : memref<128x128xf32, #tpu.memory_space<vmem>>)
      %mul3A_134 = arith.constant 128 : i32
      %mul3A_135 = arith.muli %add3A_120, %mul3A_134 : i32
      %add3A_136 = arith.addi %mul3A_2, %mul3A_135 : i32
      %dma_start3A_137 = arith.constant 0 : i32
      %dma_start3A_138 = tpu.memref_slice %arg4[%add3A_136, %dma_start3A_137] : memref<819200x128xf32, #tpu.memory_space<hbm>> -> memref<128x128xf32, #tpu.memory_space<hbm>>
      %dma_start3A_139 = arith.constant 0 : i32
      %dma_start3A_140 = tpu.memref_slice %arg4[%add3A_136, %dma_start3A_139] : memref<819200x128xf32, #tpu.memory_space<hbm>> -> memref<128x128xf32, #tpu.memory_space<hbm>>
      tpu.enqueue_dma source(%arg9 : memref<128x128xf32, #tpu.memory_space<vmem>>) target(%dma_start3A_140 : memref<128x128xf32, #tpu.memory_space<hbm>>) target_semaphore(%arg17 : memref<!tpu.dma_semaphore, #tpu.memory_space<semaphore_mem>>)
      %scan3A_141 = arith.constant 0 : i32
      scf.yield %scan3A_141 : i32
    }
    %scan3A_22 = arith.constant 50 : i32
    %add3A_23 = arith.constant 25088 : i32
    %add3A_24 = arith.addi %mul3A_2, %add3A_23 : i32
    %dma_wait3A = arith.constant 0 : i32
    %dma_wait3A_25 = tpu.memref_slice %arg4[%add3A_24, %dma_wait3A] : memref<819200x128xf32, #tpu.memory_space<hbm>> -> memref<128x128xf32, #tpu.memory_space<hbm>>
    %dma_wait3A_26 = arith.constant 0 : i32
    %dma_wait3A_27 = tpu.memref_slice %arg4[%add3A_24, %dma_wait3A_26] : memref<819200x128xf32, #tpu.memory_space<hbm>> -> memref<128x128xf32, #tpu.memory_space<hbm>>
    tpu.wait_dma2 semaphore(%arg14 : memref<!tpu.dma_semaphore, #tpu.memory_space<semaphore_mem>>) src(%arg6 : memref<128x128xf32, #tpu.memory_space<vmem>>) dst(%dma_wait3A_27 : memref<128x128xf32, #tpu.memory_space<hbm>>)
    %add3A_28 = arith.constant 25216 : i32
    %add3A_29 = arith.addi %mul3A_2, %add3A_28 : i32
    %dma_wait3A_30 = arith.constant 0 : i32
    %dma_wait3A_31 = tpu.memref_slice %arg4[%add3A_29, %dma_wait3A_30] : memref<819200x128xf32, #tpu.memory_space<hbm>> -> memref<128x128xf32, #tpu.memory_space<hbm>>
    %dma_wait3A_32 = arith.constant 0 : i32
    %dma_wait3A_33 = tpu.memref_slice %arg4[%add3A_29, %dma_wait3A_32] : memref<819200x128xf32, #tpu.memory_space<hbm>> -> memref<128x128xf32, #tpu.memory_space<hbm>>
    tpu.wait_dma2 semaphore(%arg15 : memref<!tpu.dma_semaphore, #tpu.memory_space<semaphore_mem>>) src(%arg7 : memref<128x128xf32, #tpu.memory_space<vmem>>) dst(%dma_wait3A_33 : memref<128x128xf32, #tpu.memory_space<hbm>>)
    %add3A_34 = arith.constant 25344 : i32
    %add3A_35 = arith.addi %mul3A_2, %add3A_34 : i32
    %dma_wait3A_36 = arith.constant 0 : i32
    %dma_wait3A_37 = tpu.memref_slice %arg4[%add3A_35, %dma_wait3A_36] : memref<819200x128xf32, #tpu.memory_space<hbm>> -> memref<128x128xf32, #tpu.memory_space<hbm>>
    %dma_wait3A_38 = arith.constant 0 : i32
    %dma_wait3A_39 = tpu.memref_slice %arg4[%add3A_35, %dma_wait3A_38] : memref<819200x128xf32, #tpu.memory_space<hbm>> -> memref<128x128xf32, #tpu.memory_space<hbm>>
    tpu.wait_dma2 semaphore(%arg16 : memref<!tpu.dma_semaphore, #tpu.memory_space<semaphore_mem>>) src(%arg8 : memref<128x128xf32, #tpu.memory_space<vmem>>) dst(%dma_wait3A_39 : memref<128x128xf32, #tpu.memory_space<hbm>>)
    %add3A_40 = arith.constant 25472 : i32
    %add3A_41 = arith.addi %mul3A_2, %add3A_40 : i32
    %dma_wait3A_42 = arith.constant 0 : i32
    %dma_wait3A_43 = tpu.memref_slice %arg4[%add3A_41, %dma_wait3A_42] : memref<819200x128xf32, #tpu.memory_space<hbm>> -> memref<128x128xf32, #tpu.memory_space<hbm>>
    %dma_wait3A_44 = arith.constant 0 : i32
    %dma_wait3A_45 = tpu.memref_slice %arg4[%add3A_41, %dma_wait3A_44] : memref<819200x128xf32, #tpu.memory_space<hbm>> -> memref<128x128xf32, #tpu.memory_space<hbm>>
    tpu.wait_dma2 semaphore(%arg17 : memref<!tpu.dma_semaphore, #tpu.memory_space<semaphore_mem>>) src(%arg9 : memref<128x128xf32, #tpu.memory_space<vmem>>) dst(%dma_wait3A_45 : memref<128x128xf32, #tpu.memory_space<hbm>>)
    return
  }
}

module attributes {stable_mosaic.version = 14 : i64} {
  func.func @_matmul_body(%arg0: i32, %arg1: memref<64x8192xf32, #tpu.memory_space<vmem>>, %arg2: memref<64x128xf32, #tpu.memory_space<vmem>>, %arg3: memref<8192x128xf32, #tpu.memory_space<vmem>>) attributes {dimension_semantics = [#tpu.dimension_semantics<arbitrary>], iteration_bounds = array<i64: 13>, scalar_prefetch = 0 : i64, scratch_operands = 0 : i64, tpu.core_type = #tpu.core_type<tc>, window_params = [{transform_indices = @transform_0, window_bounds = array<i64: 64, 8192>}, {pipeline_mode = #tpu.pipeline_mode<synchronous>, transform_indices = @transform_1, window_bounds = array<i64: 64, 128>}, {transform_indices = @transform_2, window_bounds = array<i64: 8192, 128>}]} {
    %get3A = arith.constant 0 : index
    %get3A_0 = arith.constant 0 : index
    %get3A_1 = vector.load %arg1[%get3A, %get3A_0] : memref<64x8192xf32, #tpu.memory_space<vmem>>, vector<64x8192xf32>
    %get3A_2 = arith.constant 0 : index
    %get3A_3 = arith.constant 0 : index
    %get3A_4 = vector.load %arg2[%get3A_2, %get3A_3] : memref<64x128xf32, #tpu.memory_space<vmem>>, vector<64x128xf32>
    %dot_general3A = arith.constant dense<0.000000e+00> : vector<8192x128xf32>
    %dot_general3A_5 = tpu.matmul %get3A_1, %get3A_4, %dot_general3A {dimension_numbers = #tpu.dot_dimension_numbers<[0], [0], [1], [1], [0, 1, 1, 1], [], []>, transpose_lhs_hint = false} : vector<64x8192xf32>, vector<64x128xf32>, vector<8192x128xf32> -> vector<8192x128xf32>
    %swap3A = arith.constant 0 : index
    %swap3A_6 = arith.constant 0 : index
    %swap3A_7 = vector.load %arg3[%swap3A, %swap3A_6] : memref<8192x128xf32, #tpu.memory_space<vmem>>, vector<8192x128xf32>
    tpu.vector_store %arg3[%swap3A, %swap3A_6], %dot_general3A_5 {strides = array<i32>} : memref<8192x128xf32, #tpu.memory_space<vmem>>, vector<8192x128xf32>,
    return
  }
  func.func @transform_0(%arg0: i32) -> (i32, i32) {
    %c0_i32 = arith.constant 0 : i32
    %c0_i32_0 = arith.constant 0 : i32
    return %c0_i32, %arg0 : i32, i32
  }
  func.func @transform_1(%arg0: i32) -> (i32, i32) {
    %c0_i32 = arith.constant 0 : i32
    %c0_i32_0 = arith.constant 0 : i32
    %c0_i32_1 = arith.constant 0 : i32
    return %c0_i32, %c0_i32_0 : i32, i32
  }
  func.func @transform_2(%arg0: i32) -> (i32, i32) {
    %c0_i32 = arith.constant 0 : i32
    %c0_i32_0 = arith.constant 0 : i32
    return %arg0, %c0_i32 : i32, i32
  }
}

</mosaic_0001>

<sc_bundles>
// kernel: kernel.4.cloned.1.call-start
scs
__scs_entry_jumppad:
0x0: {  	(pc) =	sbr.rel $0x88, $3  }
0x1: {  	(tag) =	ssettag $0x0;
	lr =	simm.s32 $0x1  }
0x2: {  	[smem:$0x3F9E] =	sst lr;
	_ =	strace $0xD0000000  }
0x3: {  	_ = 	snop  }
0x4: {  	_ = 	snop  }
0x5: {  	_ = 	snop  }
0x6: {  	_ = 	snop  }
0x7: {  	_ = 	snop  }
__scs_overlays_trampoline_lowered:
0x8: {  	[smem:$0x3FAD] =	sst s0  }
0x9: {  	[smem:$0x3FAE] =	sst s1  }
0xa: {  	[smem:$0x3FAF] =	sst s2  }
0xb: {  	[smem:$0x3FB0] =	sst s3  }
0xc: {  	[smem:$0x3FB1] =	sst s4  }
0xd: {  	[smem:$0x3FB2] =	sst s5  }
0xe: {  	[smem:$0x3FB3] =	sst s6  }
0xf: {  	[smem:$0x3FB4] =	sst s7  }
0x10: {  	[smem:$0x3FB5] =	sst s8  }
0x11: {  	[smem:$0x3FB6] =	sst s9;
	s0 =	simm.s32 @!p0 $0x0  }
0x12: {  	s1 =	sld [smem:$0x3F9C];
	s0 =	simm.s32 @p0 $0x1  }
0x13: {  	[smem:$0x3FB7] =	sst s0;
	s0 =	simm.s32 @!p1 $0x0  }
0x14: {  	s2 =	sld [smem:$0x3F9B];
	s0 =	simm.s32 @p1 $0x1  }
0x15: {  	[smem:$0x3FB8] =	sst s0;
	s0 =	simm.s32 @!p2 $0x0  }
0x16: {  	s3 =	sld [smem:$0x3FDB];
	s0 =	simm.s32 @p2 $0x1  }
0x17: {  	s4 =	simm.s32 $0x1BF5;
	[smem:$0x3FBA] =	sst s0  }
0x18: {  	s0 =	sld [smem:$0x3F9D];
	_ =	swait.ge [sflag:s4], $0x0  }
0x19: {  	s7 =	sld [smem:$0x3F9E]  }
0x1a: {  	s8 =	sadd.s32 $0xFFFFE003, lr  }
0x1b: {  	s9 =	sadd.s32 $0xFFFFFEF7, lr;
	s5 =	simm.s32 $0xFFFFFFFF;
	p2 =	slt.u32 s8, $0xFFFFF086  }
0x1c: {  	p1 =	slt.u32 s9, $0xF7A;
	s5 =	simm.s32 @!p2 $0x0  }
0x1d: {  	s5 =	simm.s32 @p1 $0x1;
	p0 =	seq.s32 s7, s2  }
0x1e: {  	s7 =	smul.u32 @!p0 $0xF7A, s2;
	p2 =	seq.s32 @!p0 s5, $0x0  }
0x1f: {  	s9 =	smul.u32 $0xF7A, s1;
	s8 =	simm.s32 @!p0 $0x1BF5;
	p2 =	por !p2, p0  }
0x20: {  	[sflag:s8] =	ssyncset.s32 @!p0 $0xFFFFF086;
	s6 =	sadd.s32 @!p0 s3, s7;
	s7 =	simm.s32 @!p0 $0x108  }
0x21: {  	s3 =	sadd.s32 s3, s9;
	s6 =	sadd.s32 @!p0 $0x88, s6;
	s7 =	simm.s32 @p2 $0x1082  }
0x22: {  	[simem:s7], [sflag:s8] =	dma.local @!p0 [hbm:s6], $0xF7A  }
0x23: {  	s9 =	sor.u32 $0xD0000000, s2;
	s6 =	simm.s32 $0x108;
	_ =	swait.ge @!p0 [sflag:s8], $0x0  }
0x24: {  	s3 =	sadd.s32 $0x88, s3;
	s6 =	simm.s32 @!p1 $0x1082;
	[sflag:s4] =	ssyncset.s32 $0xFFFFF086  }
0x25: {  	[simem:s6], [sflag:s4] =	dma.local [hbm:s3], $0xF7A  }
0x26: {  	[smem:$0x3F9E] =	sst s1;
	(tag) =	ssettag s2;
	_ =	strace s9  }
0x27: {  	s1 =	sld [smem:$0x3FAE]  }
0x28: {  	s2 =	sld [smem:$0x3FAF]  }
0x29: {  	s4 =	sld [smem:$0x3FB1]  }
0x2a: {  	p0 =	seq.s32 s5, $0x0;
	s5 =	sld [smem:$0x3FB2]  }
0x2b: {  	s6 =	sld [smem:$0x3FB3]  }
0x2c: {  	s7 =	sld [smem:$0x3FB4]  }
0x2d: {  	s3 =	simm.s32 $0x108;
	s8 =	sld [smem:$0x3FB5]  }
0x2e: {  	s3 =	simm.s32 @!p0 $0x1082;
	s9 =	sld [smem:$0x3FB6]  }
0x2f: {  	lr =	sadd.s32 s0, s3;
	s0 =	sld [smem:$0x3FAD]  }
0x30: {  	s3 =	sld [smem:$0x3FB0]  }
0x31: {  	[smem:$0x3FB9] =	sst s10  }
0x32: {  	s10 =	sld [smem:$0x3FB7];
	_ =	sdelay $0x3  }
0x33: {  	p0 =	seq.s32 s10, $0x1;
	s10 =	sld [smem:$0x3FB9];
	_ =	sdelay $0x3  }
0x34: {  	[smem:$0x3FB9] =	sst s10  }
0x35: {  	s10 =	sld [smem:$0x3FB8];
	_ =	sdelay $0x3  }
0x36: {  	p1 =	seq.s32 s10, $0x1;
	s10 =	sld [smem:$0x3FB9];
	_ =	sdelay $0x3  }
0x37: {  	[smem:$0x3FB9] =	sst s10  }
0x38: {  	s10 =	sld [smem:$0x3FBA]  }
0x39: {  	_ = 	snop;
	(pc) =	sbr.ind lr, $3  }
0x3a: {  	_ = 	snop  }
0x3b: {  	_ = 	snop  }
0x3c: {  	p2 =	seq.s32 s10, $0x1;
	s10 =	sld [smem:$0x3FB9]  }
0x3d: {  	_ =	shalt  }
0x3e: {  	_ =	shalt  }
0x3f: {  	_ =	shalt  }
0x40: {  	_ =	shalt  }
0x41: {  	_ =	shalt  }
0x42: {  	_ =	shalt  }
0x43: {  	_ =	shalt  }
0x44: {  	_ =	shalt  }
0x45: {  	_ =	shalt  }
0x46: {  	_ =	shalt  }
0x47: {  	_ =	shalt  }
0x48: {  	_ =	shalt  }
0x49: {  	_ =	shalt  }
0x4a: {  	_ =	shalt  }
0x4b: {  	_ =	shalt  }
0x4c: {  	_ =	shalt  }
0x4d: {  	_ =	shalt  }
0x4e: {  	_ =	shalt  }
0x4f: {  	_ =	shalt  }
0x50: {  	_ =	shalt  }
0x51: {  	_ =	shalt  }
0x52: {  	_ =	shalt  }
0x53: {  	_ =	shalt  }
0x54: {  	_ =	shalt  }
0x55: {  	_ =	shalt  }
0x56: {  	_ =	shalt  }
0x57: {  	_ =	shalt  }
0x58: {  	_ =	shalt  }
0x59: {  	_ =	shalt  }
0x5a: {  	_ =	shalt  }
0x5b: {  	_ =	shalt  }
0x5c: {  	_ =	shalt  }
0x5d: {  	_ =	shalt  }
0x5e: {  	_ =	shalt  }
0x5f: {  	_ =	shalt  }
0x60: {  	_ =	shalt  }
0x61: {  	_ =	shalt  }
0x62: {  	_ =	shalt  }
0x63: {  	_ =	shalt  }
0x64: {  	_ =	shalt  }
0x65: {  	_ =	shalt  }
0x66: {  	_ =	shalt  }
0x67: {  	_ =	shalt  }
0x68: {  	_ =	shalt  }
0x69: {  	_ =	shalt  }
0x6a: {  	_ =	shalt  }
0x6b: {  	_ =	shalt  }
0x6c: {  	_ =	shalt  }
0x6d: {  	_ =	shalt  }
0x6e: {  	_ =	shalt  }
0x6f: {  	_ =	shalt  }
0x70: {  	_ =	shalt  }
0x71: {  	_ =	shalt  }
0x72: {  	_ =	shalt  }
0x73: {  	_ =	shalt  }
0x74: {  	_ =	shalt  }
0x75: {  	_ =	shalt  }
0x76: {  	_ =	shalt  }
0x77: {  	_ =	shalt  }
0x78: {  	_ =	shalt  }
0x79: {  	_ =	shalt  }
0x7a: {  	_ =	shalt  }
0x7b: {  	_ =	shalt  }
0x7c: {  	_ =	shalt  }
0x7d: {  	_ =	shalt  }
0x7e: {  	_ =	shalt  }
0x7f: {  	_ =	shalt  }
0x80: {  	_ =	shalt  }
0x81: {  	_ =	shalt  }
0x82: {  	_ =	shalt  }
0x83: {  	_ =	shalt  }
0x84: {  	_ =	shalt  }
0x85: {  	_ =	shalt  }
0x86: {  	_ =	shalt  }
0x87: {  	_ =	shalt  }
.Lfunc_end0:
.L_simem_size_0:
called_computation_lowered:
.L_overlay_start_0:
0x88: {  	s2 =	sld [smem:$0x3FD9]  }
0x89: {  	s3 =	sld [smem:$0x3FFE];
	_ =	sdelay $0x1  }
0x8a: {  	s1 =	srdreg.scid  }
0x8b: {  	s0 =	sand.u32 $0x1, s1  }
0x8c: {  	s17 =	sshll.u32 s0, $0xA;
	s2 =	sadd.s32 s3, s2  }
0x8d: {  	s2 =	sadd.s32 s2, s17  }
0x8e: {  	[smem:$0x3FC5] =	sst s2  }
0x8f: {  	_ = 	snop  }
0x90: {  	s2 =	sld [smem:$0x3FD0];
	(tm) =	ssettm $0x1  }
0x91: {  	s18 =	sld [smem:$0x3FFB];
	_ =	sdelay $0x3  }
0x92: {  	_ =	strace s18  }
0x93: {  	s3 =	sld [smem:$0x3FFC];
	_ =	sdelay $0x3  }
0x94: {  	_ =	strace s3  }
0x95: {  	s3 =	sld [smem:$0x3FFD];
	_ =	sdelay $0x3  }
0x96: {  	_ =	strace s3  }
0x97: {  	_ =	strace $0x8FFFFFFF  }
0x98: {  	s19 =	sld [smem:$0x3FDB];
	_ =	sdelay $0x1  }
0x99: {  	s4 =	simm.s32 $_scs_section_size  }
0x9a: {  	s5 =	simm.s32 $_size__tile_overlayer_lowered;
	s6 =	simm.s32 $_tile_overlayer_lowered  }
0x9b: {  	s22 =	simm.s32 $0x1BFF;
	s21 =	sshll.u32 s6, $0x1;
	s3 =	sadd.s32 s4, s19  }
0x9c: {  	s7 =	simm.s32 $0x0;
	s20 =	sshll.u32 s5, $0x1;
	s5 =	sadd.s32 s21, s3  }
0x9d: {  	[timem:s7], [sflag:s22] =	dma.local [hbm:s5], s20  }
0x9e: {  	_ =	swait.ge [sflag:s22], s20  }
0x9f: {  	s4 =	ssub.s32 $0x0, s20;
	[sflag:s22] =	ssyncset.done $0x0  }
0xa0: {  	[sflag:s22] =	ssyncadd.s32 s4;
	_ =	sdelay $0x1  }
0xa1: {  	s23 =	simm.s32 $0x1B8B  }
0xa2: {  	_ =	swait.ge [sflag:s23], $0x1  }
0xa3: {  	[sflag:s23] =	ssyncset.done $0x0  }
0xa4: {  	s25 =	simm.s32 $0x1B8E;
	s24 =	sld [smem:$0x3FFE];
	[sflag:s23] =	ssyncadd.s32 $0xFFFFFFFF  }
0xa5: {  	s26 =	simm.s32 $execute0_lowered;
	[smem:$0x3FD2] =	sst s25  }
0xa6: {  	s5 =	sshll.u32 s26, $0x1;
	_ =	strace $0x80000046;
	[dreg:$0x1] =	wrdreg $0xFFFFFFFF  }
0xa7: {  	s28 =	simm.s32 $_size_execute0_lowered;
	s3 =	sadd.s32 s3, s5;
	[dreg:$0x0] =	wrdreg $0x0  }
0xa8: {  	s5 =	sshll.u32 s28, $0x1;
	[dreg:$0x2] =	wrdreg s3  }
0xa9: {  	[dreg:$0x3] =	wrdreg s5  }
0xaa: {  	[dreg:$0x4] =	wrdreg $0xC0  }
0xab: {  	_ =	task [dreg:s7], $0x5FFFF  }
0xac: {  	[dreg:$0x1] =	wrdreg $0xFFFFFFFF  }
0xad: {  	[dreg:$0x0] =	wrdreg $0x60  }
0xae: {  	[dreg:$0x2] =	wrdreg s24  }
0xaf: {  	[dreg:$0x3] =	wrdreg s2  }
0xb0: {  	[dreg:$0x4] =	wrdreg $0x9  }
0xb1: {  	_ =	task.clear_ibuf [dreg:s7], $0x5FFFF;
	_ =	strace $0x90000046  }
0xb2: {  	s29 =	simm.s32 $0x9;
	_ =	strace $0x80000048  }
0xb3: {  	_ =	swait.ge [sflag:s29], $0x1  }
0xb4: {  	[sflag:s29] =	ssyncadd.s32 $0xFFFFFFFF  }
0xb5: {  	_ =	strace $0x90000048  }
0xb6: {  	_ =	sfence  }
0xb7: {  	s30 =	sld [smem:$0x0];
	_ =	sdelay $0x2  }
0xb8: {  	s31 =	sshll.u32 s1, $0xD;
	s1 =	sshrl.u32 s1, $0x2  }
0xb9: {  	s3 =	sand.u32 $0x4000, s31;
	s1 =	sadd.s32 s1, s30  }
0xba: {  	s0 =	sor.u32 s3, s0;
	s1 =	sshll.u32 s1, $0x11  }
0xbb: {  	s0 =	sor.u32 s1, s0  }
0xbc: {  	s0 =	sadd.s32 $0x8F2B, s0  }
0xbd: {  	[sflag:s0] =	ssyncadd.remote.s32 $0x1  }
0xbe: {  	_ =	sfence.sel $0xFFFF  }
0xbf: {  	[dreg:$0x0] =	wrdreg $0xFFFFFFFF;
	(pc) =	sbr.abs _section_cstart, $3  }
0xc0: {  	[dreg:$0x1] =	wrdreg $0xFFFFFFFF  }
0xc1: {  	_ =	task.clear_ibuf [dreg:s7], $0x2FFFF;
	_ =	strace $0x9FFFFFFF  }
0xc2: {  	(tm) =	ssettm $0x7FFFFFFF  }
0xc3: {  	_ =	shalt  }
tec
execute0_lowered:
.L_overlay_start_1:
0x0: {  	(tag) =	ssettag $0x1  }
0x1: {  	s4 =	rddreg [dreg:$0x0]  }
0x2: {  	s1 =	srdreg.scid;
	s0 =	stileid.u32  }
0x3: {  	s8 =	rddreg [dreg:$0x1];
	s2 =	simm.s32 $0x0;
	s12 =	simm.s32 $0xA400  }
0x4: {  	s15 =	simm.s32 $0x12400;
	s16 =	simm.s32 $0x1;
	s17 =	simm.s32 $0x2  }
0x5: {  	s18 =	simm.s32 $0x4;
	s19 =	simm.s32 $0x5;
	s20 =	simm.s32 $0x6  }
0x6: {  	s21 =	simm.s32 $0x7;
	s22 =	simm.s32 $0x8;
	s25 =	smul.u32 $0x640000, s0  }
0x7: {  	s23 =	simm.s32 $0x0;
	s6 =	sand.u32 $0x1, s1;
	s11 =	smul.u32 $0xC8000, s0  }
0x8: {  	s3 =	sshll.u32 s0, $0x1;
	[smem:$0x7FF] =	sst s2;
	s28 =	smul.u32 $0x320000, s6  }
0x9: {  	s5 =	sor.u32 s6, s3;
	s9 =	ssub.s32 $0x2, s6;
	s6 =	smul.u32 $0x64000, s6  }
0xa: {  	_ =	strace $0x80000047;
	s3 =	sadd.s32 $0x19600, s4;
	s7 =	smul.u32 $0x6400, s5  }
0xb: {  	s10 =	smul.u32 $0x64000, s5;
	s24 =	sshrl.u32 s9, $0x1;
	s30 =	sadd.s32 s11, s8  }
0xc: {  	s11 =	simm.s32 $0x6400;
	s5 =	ssub.s32 s9, s24;
	s9 =	sadd.s32 s6, s30  }
0xd: {  	s7 =	sshrl.u32 s7, $0x3;
	s29 =	smax.u32 s5, $0x1;
	s10 =	sadd.s32 s8, s10  }
0xe: {  	s4 =	sadd.s32 s7, s4;
	[dreg:$0x5] =	wrdreg s29;
	s10 =	sadd.s32 $0x63000, s10  }
0xf: {  	s7 =	sadd.s32 s28, s25;
	s26 =	sadd.s32 $0x600, s4;
	[dreg:$0x3] =	wrdreg s10  }
0x10: {  	s31 =	sor.u32 $0xC000, s7;
	s7 =	sshrl.u32 s7, $0x3;
	[dreg:$0x4] =	wrdreg s26  }
0x11: {  	s10 =	sshrl.u32 s31, $0x3;
	s6 =	sadd.s32 s7, s8;
	s7 =	sadd.s32 $0x1000, s9  }
0x12: {  	s9 =	simm.s32 $0x9;
	s8 =	sadd.s32 s10, s8;
	s10 =	simm.s32 $0x80  }
.LBB2_1:
0x13: {  	s0 =	rddreg [dreg:$0x4]  }
0x14: {  	[tilespmem:s2], [sflag:$0x9] =	stream.linear.gather [hbm4b:s0+s2], $0x6400, $0x38;
	[tilespmem:$0x16400] =	vst v63  }
0x15: {  	_ =	swait.ge [sflag:s9], $0x6400  }
0x16: {  	[sflag:s9] =	ssyncset.done $0x0  }
0x17: {  	[sflag:s9] =	ssyncadd.s32 $0xFFFF9C00  }
0x18: {  	[tilespmem:s11], [sflag:$0x1] =	stream.indirect.gather [hbm4b:s3+s10], $0x80, s2, s10, $0xb8;
	[tilespmem:$0x16400] =	vst v63  }
0x19: {  	p0 =	por $0x1, $0x1  }
0x1a: {  	[tilespmem:s12], [sflag:$0x2] =	stream.indirect.gather [hbm4b:s3+s10], $0x80, s10, s10, $0xb8;
	[tilespmem:$0x16400] =	vst v63  }
0x1b: {  	s26 =	simm.s32 $0x100;
	s1 =	simm.s32 $0xE400;
	s24 =	simm.s32 @!p0 $0x8  }
0x1c: {  	[tilespmem:s1], [sflag:$0x3] =	stream.indirect.gather [hbm4b:s3+s10], $0x80, s26, s10, $0xb8;
	[tilespmem:$0x16400] =	vst v63  }
0x1d: {  	_ =	swait.ge @!p0 [sflag:s24], $0x4000  }
0x1e: {  	[sflag:s24] =	ssyncset.done @!p0 $0x0  }
0x1f: {  	s25 =	simm.s32 $0x180;
	[sflag:s24] =	ssyncadd.s32 @!p0 $0xFFFFC000  }
0x20: {  	[tilespmem:s15], [sflag:$0x4] =	stream.indirect.gather [hbm4b:s3+s10], $0x80, s25, s10, $0xb8;
	[tilespmem:$0x16400] =	vst v63  }
0x21: {  	_ =	swait.ge [sflag:s16], $0x4000  }
0x22: {  	p0 =	por $0x0, $0x0;
	[sflag:s16] =	ssyncset.done $0x0  }
0x23: {  	s24 =	simm.s32 @!p0 $0x5;
	[sflag:s16] =	ssyncadd.s32 $0xFFFFC000  }
0x24: {  	[hbm4b:s6+s2] =	stream.linear.scatter [tilespmem:s11], [sflag:$0x5], $0x4000, $0x38;
	[tilespmem:$0x16400] =	vst v63  }
0x25: {  	_ =	swait.ge @!p0 [sflag:s24], $0x4000  }
0x26: {  	s25 =	simm.s32 @!p0 $0x200;
	[sflag:s24] =	ssyncset.done @!p0 $0x0  }
0x27: {  	s26 =	simm.s32 @!p0 $0x80;
	s28 =	simm.s32 @!p0 $0x6400;
	[sflag:s24] =	ssyncadd.s32 @!p0 $0xFFFFC000  }
0x28: {  	[tilespmem:s28], [sflag:$0x1] =	stream.indirect.gather @!p0 [hbm4b:s3+s26], $0x80, s25, s26, $0xb8;
	[tilespmem:$0x16400] =	vst v63  }
0x29: {  	_ =	swait.ge [sflag:s17], $0x4000  }
0x2a: {  	[sflag:s17] =	ssyncset.done $0x0  }
0x2b: {  	s31 =	sadd.s32 $0xFFFFF800, s7;
	s25 =	simm.s32 @p0 $0x3;
	[sflag:s17] =	ssyncadd.s32 $0xFFFFC000  }
0x2c: {  	[hbm4b:s31+s2] =	stream.linear.scatter [tilespmem:s12], [sflag:$0x6], $0x4000, $0x38;
	[tilespmem:$0x16400] =	vst v63  }
0x2d: {  	_ =	swait.ge @p0 [sflag:s25], $0x4000  }
0x2e: {  	s29 =	simm.s32 @!p0 $0x6;
	s28 =	simm.s32 @p0 $0xE400;
	[sflag:s25] =	ssyncset.done @p0 $0x0  }
0x2f: {  	s24 =	rddreg [dreg:$0x3];
	[sflag:s25] =	ssyncadd.s32 @p0 $0xFFFFC000;
	s25 =	simm.s32 @p0 $0x0  }
0x30: {  	[hbm4b:s24+s25] =	stream.linear.scatter @p0 [tilespmem:s28], [sflag:$0x7], $0x4000, $0x38;
	[tilespmem:$0x16400] =	vst v63  }
0x31: {  	_ =	swait.ge @!p0 [sflag:s29], $0x4000  }
0x32: {  	s24 =	simm.s32 @!p0 $0x280;
	[sflag:s29] =	ssyncset.done @!p0 $0x0  }
0x33: {  	s25 =	simm.s32 @!p0 $0xA400;
	s28 =	simm.s32 @!p0 $0x3;
	[sflag:s29] =	ssyncadd.s32 @!p0 $0xFFFFC000  }
0x34: {  	[tilespmem:s25], [sflag:$0x2] =	stream.indirect.gather @!p0 [hbm4b:s3+s26], $0x80, s24, s26, $0xb8;
	[tilespmem:$0x16400] =	vst v63  }
0x35: {  	_ =	swait.ge @!p0 [sflag:s28], $0x4000  }
0x36: {  	s29 =	simm.s32 @!p0 $0x7;
	[sflag:s28] =	ssyncset.done @!p0 $0x0  }
0x37: {  	s24 =	simm.s32 @!p0 $0x0;
	s25 =	simm.s32 @!p0 $0xE400;
	[sflag:s28] =	ssyncadd.s32 @!p0 $0xFFFFC000  }
0x38: {  	[hbm4b:s7+s24] =	stream.linear.scatter @!p0 [tilespmem:s25], [sflag:$0x7], $0x4000, $0x38;
	[tilespmem:$0x16400] =	vst v63  }
0x39: {  	_ =	swait.ge @!p0 [sflag:s29], $0x4000  }
0x3a: {  	p1 =	por $0x0, $0x0;
	[sflag:s29] =	ssyncset.done @!p0 $0x0  }
0x3b: {  	s30 =	smov.u32 s8;
	s24 =	simm.s32 @!p0 $0x300;
	[sflag:s29] =	ssyncadd.s32 @!p0 $0xFFFFC000  }
0x3c: {  	[tilespmem:s25], [sflag:$0x3] =	stream.indirect.gather @!p0 [hbm4b:s3+s26], $0x80, s24, s26, $0xb8;
	[tilespmem:$0x16400] =	vst v63  }
0x3d: {  	s28 =	simm.s32 $0x800;
	s29 =	simm.s32 $0x1000;
	s25 =	sadd.s32 $0x2000, s7  }
0x3e: {  	s24 =	sadd.s32 $0x2000, s8;
	s26 =	sadd.s32 $0x2000, s6;
	_ =	swait.ge [sflag:s18], $0x4000  }
.LBB2_2:
0x3f: {  	[sflag:s18] =	ssyncset.done $0x0  }
0x40: {  	s31 =	simm.s32 @!p1 $0x8;
	[sflag:s18] =	ssyncadd.s32 $0xFFFFC000  }
0x41: {  	[hbm4b:s30+s2] =	stream.linear.scatter [tilespmem:s15], [sflag:$0x8], $0x4000, $0x38;
	[tilespmem:$0x16400] =	vst v63  }
0x42: {  	_ =	swait.ge @!p1 [sflag:s31], $0x4000  }
0x43: {  	s0 =	sshra.s32 s28, $0x2;
	[sflag:s31] =	ssyncset.done @!p1 $0x0  }
0x44: {  	s0 =	sadd.s32 $0x180, s0;
	[sflag:s31] =	ssyncadd.s32 @!p1 $0xFFFFC000  }
0x45: {  	[tilespmem:s15], [sflag:$0x4] =	stream.indirect.gather [hbm4b:s3+s10], $0x80, s0, s10, $0xb8;
	[tilespmem:$0x16400] =	vst v63  }
0x46: {  	_ =	swait.ge [sflag:s16], $0x4000  }
0x47: {  	p1 =	seq.s32 s28, $0x18800;
	[sflag:s16] =	ssyncset.done $0x0  }
0x48: {  	s0 =	simm.s32 @!p1 $0x5;
	[sflag:s16] =	ssyncadd.s32 $0xFFFFC000  }
0x49: {  	[hbm4b:s26+s2] =	stream.linear.scatter [tilespmem:s11], [sflag:$0x5], $0x4000, $0x38;
	[tilespmem:$0x16400] =	vst v63  }
0x4a: {  	_ =	swait.ge @!p1 [sflag:s0], $0x4000  }
0x4b: {  	s28 =	sshra.s32 @!p1 s28, $0x2;
	s14 =	simm.s32 @!p1 $0x80;
	[sflag:s0] =	ssyncset.done @!p1 $0x0  }
0x4c: {  	s4 =	simm.s32 @!p1 $0x6400;
	s31 =	sadd.s32 @!p1 $0x200, s28;
	[sflag:s0] =	ssyncadd.s32 @!p1 $0xFFFFC000  }
0x4d: {  	[tilespmem:s4], [sflag:$0x1] =	stream.indirect.gather @!p1 [hbm4b:s3+s14], $0x80, s31, s14, $0xb8;
	[tilespmem:$0x16400] =	vst v63  }
0x4e: {  	_ =	swait.ge [sflag:s17], $0x4000  }
0x4f: {  	s1 =	smov.u32 s29;
	s5 =	simm.s32 @!p1 $0x6;
	[sflag:s17] =	ssyncset.done $0x0  }
0x50: {  	s31 =	sadd.s32 $0xFFFFF800, s25;
	s4 =	simm.s32 @p1 $0x3;
	[sflag:s17] =	ssyncadd.s32 $0xFFFFC000  }
0x51: {  	[hbm4b:s31+s2] =	stream.linear.scatter [tilespmem:s12], [sflag:$0x6], $0x4000, $0x38;
	[tilespmem:$0x16400] =	vst v63  }
0x52: {  	s13 =	sadd.s32 @!p1 $0x280, s28;
	s0 =	sadd.s32 @!p1 $0x300, s28;
	_ =	swait.ge @p1 [sflag:s4], $0x4000  }
0x53: {  	s28 =	smov.u32 s1;
	s31 =	simm.s32 @p1 $0xE400;
	[sflag:s4] =	ssyncset.done @p1 $0x0  }
0x54: {  	s1 =	rddreg [dreg:$0x3];
	[sflag:s4] =	ssyncadd.s32 @p1 $0xFFFFC000;
	s4 =	simm.s32 @p1 $0x0  }
0x55: {  	[hbm4b:s1+s4] =	stream.linear.scatter @p1 [tilespmem:s31], [sflag:$0x7], $0x4000, $0x38;
	[tilespmem:$0x16400] =	vst v63  }
0x56: {  	_ =	swait.ge @!p1 [sflag:s5], $0x4000  }
0x57: {  	[sflag:s5] =	ssyncset.done @!p1 $0x0  }
0x58: {  	s1 =	simm.s32 @!p1 $0xA400;
	s4 =	simm.s32 @!p1 $0x3;
	[sflag:s5] =	ssyncadd.s32 @!p1 $0xFFFFC000  }
0x59: {  	[tilespmem:s1], [sflag:$0x2] =	stream.indirect.gather @!p1 [hbm4b:s3+s14], $0x80, s13, s14, $0xb8;
	[tilespmem:$0x16400] =	vst v63  }
0x5a: {  	s29 =	sadd.s32 $0x800, s29;
	_ =	swait.ge @!p1 [sflag:s4], $0x4000  }
0x5b: {  	p0 =	sne.s32 s29, $0x19000;
	s5 =	simm.s32 @!p1 $0xE400;
	[sflag:s4] =	ssyncset.done @!p1 $0x0  }
0x5c: {  	s1 =	simm.s32 @!p1 $0x0;
	[sflag:s4] =	ssyncadd.s32 @!p1 $0xFFFFC000;
	s4 =	simm.s32 @!p1 $0x7  }
0x5d: {  	[hbm4b:s25+s1] =	stream.linear.scatter @!p1 [tilespmem:s5], [sflag:$0x7], $0x4000, $0x38;
	[tilespmem:$0x16400] =	vst v63  }
.Ltmp0:
0x5e: {  	_ =	swait.ge @!p1 [sflag:s4], $0x4000;
	(pc) =	sbr.rel @p0 .LBB2_2-.Ltmp0, $4  }
0x5f: {  	s30 =	smov.u32 s24;
	[sflag:s4] =	ssyncset.done @!p1 $0x0  }
0x60: {  	s24 =	sadd.s32 $0x2000, s24;
	s26 =	sadd.s32 $0x2000, s26;
	[sflag:s4] =	ssyncadd.s32 @!p1 $0xFFFFC000  }
0x61: {  	[tilespmem:s5], [sflag:$0x3] =	stream.indirect.gather @!p1 [hbm4b:s3+s14], $0x80, s0, s14, $0xb8;
	[tilespmem:$0x16400] =	vst v63  }
0x62: {  	s25 =	sadd.s32 $0x2000, s25;
	p1 =	seq.s32 s28, $0x0;
	_ =	swait.ge [sflag:s18], $0x4000  }
0x63: {  	[sflag:s18] =	ssyncset.done $0x0  }
0x64: {  	s0 =	simm.s32 @!p1 $0x8;
	[sflag:s18] =	ssyncadd.s32 $0xFFFFC000  }
0x65: {  	[hbm4b:s30+s2] =	stream.linear.scatter [tilespmem:s15], [sflag:$0x8], $0x4000, $0x38;
	[tilespmem:$0x16400] =	vst v63  }
0x66: {  	_ =	swait.ge @!p1 [sflag:s0], $0x4000  }
0x67: {  	s1 =	sshra.s32 s28, $0x2;
	[sflag:s0] =	ssyncset.done @!p1 $0x0  }
0x68: {  	s1 =	sadd.s32 $0x180, s1;
	[sflag:s0] =	ssyncadd.s32 @!p1 $0xFFFFC000  }
0x69: {  	[tilespmem:s15], [sflag:$0x4] =	stream.indirect.gather [hbm4b:s3+s10], $0x80, s1, s10, $0xb8;
	[tilespmem:$0x16400] =	vst v63  }
0x6a: {  	_ =	swait.ge [sflag:s16], $0x4000  }
0x6b: {  	p0 =	seq.s32 s28, $0x18800;
	[sflag:s16] =	ssyncset.done $0x0  }
0x6c: {  	s0 =	simm.s32 @!p0 $0x5;
	[sflag:s16] =	ssyncadd.s32 $0xFFFFC000  }
0x6d: {  	[hbm4b:s26+s2] =	stream.linear.scatter [tilespmem:s11], [sflag:$0x5], $0x4000, $0x38;
	[tilespmem:$0x16400] =	vst v63  }
0x6e: {  	_ =	swait.ge @!p0 [sflag:s0], $0x4000  }
0x6f: {  	s5 =	simm.s32 @!p0 $0x80;
	s1 =	sshra.s32 @!p0 s28, $0x2;
	[sflag:s0] =	ssyncset.done @!p0 $0x0  }
0x70: {  	s13 =	simm.s32 @!p0 $0x6400;
	s4 =	sadd.s32 @!p0 $0x200, s1;
	[sflag:s0] =	ssyncadd.s32 @!p0 $0xFFFFC000  }
0x71: {  	[tilespmem:s13], [sflag:$0x1] =	stream.indirect.gather @!p0 [hbm4b:s3+s5], $0x80, s4, s5, $0xb8;
	[tilespmem:$0x16400] =	vst v63  }
0x72: {  	_ =	swait.ge [sflag:s17], $0x4000  }
0x73: {  	[sflag:s17] =	ssyncset.done $0x0  }
0x74: {  	s30 =	sadd.s32 $0xFFFFF800, s25;
	s4 =	simm.s32 @p0 $0x3;
	[sflag:s17] =	ssyncadd.s32 $0xFFFFC000  }
0x75: {  	[hbm4b:s30+s2] =	stream.linear.scatter [tilespmem:s12], [sflag:$0x6], $0x4000, $0x38;
	[tilespmem:$0x16400] =	vst v63  }
0x76: {  	_ =	swait.ge @p0 [sflag:s4], $0x4000  }
0x77: {  	s14 =	simm.s32 @!p0 $0x6;
	s13 =	simm.s32 @p0 $0xE400;
	[sflag:s4] =	ssyncset.done @p0 $0x0  }
0x78: {  	s0 =	rddreg [dreg:$0x3];
	[sflag:s4] =	ssyncadd.s32 @p0 $0xFFFFC000;
	s4 =	simm.s32 @p0 $0x0  }
0x79: {  	[hbm4b:s0+s4] =	stream.linear.scatter @p0 [tilespmem:s13], [sflag:$0x7], $0x4000, $0x38;
	[tilespmem:$0x16400] =	vst v63  }
0x7a: {  	_ =	swait.ge @!p0 [sflag:s14], $0x4000  }
0x7b: {  	s0 =	sadd.s32 @!p0 $0x280, s1;
	[sflag:s14] =	ssyncset.done @!p0 $0x0  }
0x7c: {  	s4 =	simm.s32 @!p0 $0xA400;
	s13 =	simm.s32 @!p0 $0x3;
	[sflag:s14] =	ssyncadd.s32 @!p0 $0xFFFFC000  }
0x7d: {  	[tilespmem:s4], [sflag:$0x2] =	stream.indirect.gather @!p0 [hbm4b:s3+s5], $0x80, s0, s5, $0xb8;
	[tilespmem:$0x16400] =	vst v63  }
0x7e: {  	_ =	swait.ge @!p0 [sflag:s13], $0x4000  }
0x7f: {  	s0 =	simm.s32 @!p0 $0x0;
	[sflag:s13] =	ssyncset.done @!p0 $0x0  }
0x80: {  	s4 =	simm.s32 @!p0 $0xE400;
	[sflag:s13] =	ssyncadd.s32 @!p0 $0xFFFFC000;
	s13 =	simm.s32 @!p0 $0x7  }
0x81: {  	[hbm4b:s25+s0] =	stream.linear.scatter @!p0 [tilespmem:s4], [sflag:$0x7], $0x4000, $0x38;
	[tilespmem:$0x16400] =	vst v63  }
0x82: {  	_ =	swait.ge @!p0 [sflag:s13], $0x4000  }
0x83: {  	[sflag:s13] =	ssyncset.done @!p0 $0x0  }
0x84: {  	s0 =	sadd.s32 @!p0 $0x300, s1;
	[sflag:s13] =	ssyncadd.s32 @!p0 $0xFFFFC000  }
0x85: {  	[tilespmem:s4], [sflag:$0x3] =	stream.indirect.gather @!p0 [hbm4b:s3+s5], $0x80, s0, s5, $0xb8;
	[tilespmem:$0x16400] =	vst v63  }
0x86: {  	_ =	swait.ge [sflag:s18], $0x4000  }
0x87: {  	[sflag:s18] =	ssyncset.done $0x0  }
0x88: {  	[sflag:s18] =	ssyncadd.s32 $0xFFFFC000  }
0x89: {  	[hbm4b:s24+s2] =	stream.linear.scatter [tilespmem:s15], [sflag:$0x8], $0x4000, $0x38;
	[tilespmem:$0x16400] =	vst v63  }
0x8a: {  	_ =	swait.ge [sflag:s19], $0x4000  }
0x8b: {  	[sflag:s19] =	ssyncset.done $0x0  }
0x8c: {  	[sflag:s19] =	ssyncadd.s32 $0xFFFFC000  }
0x8d: {  	_ =	swait.ge [sflag:s20], $0x4000  }
0x8e: {  	[sflag:s20] =	ssyncset.done $0x0  }
0x8f: {  	[sflag:s20] =	ssyncadd.s32 $0xFFFFC000  }
0x90: {  	_ =	swait.ge [sflag:s21], $0x4000  }
0x91: {  	[sflag:s21] =	ssyncset.done $0x0  }
0x92: {  	[sflag:s21] =	ssyncadd.s32 $0xFFFFC000  }
0x93: {  	_ =	swait.ge [sflag:s22], $0x4000  }
0x94: {  	s23 =	sadd.s32 $0x1, s23;
	s31 =	rddreg [dreg:$0x5]  }
0x95: {  	p0 =	sne.s32 s23, s31  }
.Ltmp1:
0x96: {  	_ = 	snop;
	(pc) =	sbr.rel @p0 .LBB2_1-.Ltmp1, $3  }
0x97: {  	_ =	sdelay $0x1  }
0x98: {  	[sflag:s22] =	ssyncset.done $0x0  }
0x99: {  	[sflag:s22] =	ssyncadd.s32 $0xFFFFC000  }
0x9a: {  	_ =	sfence.sel $0x180000  }
0x9b: {  	[bflag:$0x0] =	sbarrier.arrive $0xFFFF  }
0x9c: {  	_ =	strace $0x90000047  }
0x9d: {  	s0 =	stileid.u32;
	[bflag:$0x2] =	sbarrier.arrive $0xFFFF  }
0x9e: {  	p0 =	sne.s32 s0, $0x0;
	s0 =	rddreg [dreg:$0x2]  }
0x9f: {  	s0 =	sadd.s32 @!p0 $0x100000, s0  }
0xa0: {  	[sflag:s0] =	ssyncadd.tile.s32 @!p0 $0x1;
	_ =	shalt  }
.Lfunc_end2:
_tile_overlayer_lowered:
.L_overlay_start_2:
0xa1: {  	(tag) =	ssettag $0x2  }
0xa2: {  	s0 =	rddreg [dreg:$0x0];
	s2 =	stileid.u32  }
0xa3: {  	s1 =	rddreg [dreg:$0x1];
	p0 =	sne.s32 s2, $0x0  }
0xa4: {  	s3 =	rddreg [dreg:$0x2];
	[bflag:$0x3] =	sbarrier.arrive $0xFFFF;
	s2 =	simm.s32 @!p0 $0x1C09  }
0xa5: {  	[timem:s3], [sflag:s2] =	dma.local @!p0 [hbm:s0], s1  }
0xa6: {  	s0 =	simm.s32 @!p0 $0x9  }
0xa7: {  	_ =	swait.ge @!p0 [sflag:s0], s1  }
0xa8: {  	s1 =	ssub.s32 @!p0 $0x0, s1;
	[sflag:s0] =	ssyncset.done @!p0 $0x0  }
0xa9: {  	[sflag:s0] =	ssyncadd.s32 @!p0 s1  }
0xaa: {  	[bflag:$0x3] =	sbarrier.arrive $0xFFFF  }
0xab: {  	_ =	shalt  }

</sc_bundles>
